<compile_context>
chip_gen: v7x
topology: tpu7x:2x2x1
jax: 0.10.2.dev20260603
libtpu: 0.0.44.dev20260713+nightly
codegen_flags: <defaults>
</compile_context>

<pallas_src>
import jax
import jax.numpy as jnp
from jax import lax
from jax.experimental import pallas as pl
from jax.experimental.pallas import tpu as pltpu
from jax.experimental.pallas import tpu_sc as plsc

NC, NS, L = 2, 16, 16
NW = NC * NS
T, B, N = 8, 128, 4096
R = T * B
T_TC = 6
T_SC = T - T_TC
RPW = T_SC * B // NW
GROUP = 8
CHUNKS = N // L
UNROLL = 8
WPT = B // RPW


def _dyn_gather(v, idx):
    return lax.gather(
        v,
        idx[:, None],
        dimension_numbers=lax.GatherDimensionNumbers(
            offset_dims=(), collapsed_slice_dims=(0,), start_index_map=(0,)
        ),
        slice_sizes=(1,),
        mode=lax.GatherScatterMode.PROMISE_IN_BOUNDS,
    )


def _tree_sum(acc, iota):
    for st in (8, 4, 2, 1):
        perm = lax.rem(iota + st, L)
        acc = acc + _dyn_gather(acc, perm)
    return acc


def _sc_body(x_hbm, out_hbm, buf_a, buf_b, outv, sem_a, sem_b):
    wid = lax.axis_index("s") * NC + lax.axis_index("c")
    t = T_TC + wid // WPT
    r_base = lax.rem(wid, WPT) * RPW
    iota = lax.iota(jnp.int32, L)
    one = jnp.full((L,), 1, jnp.int32)
    zero = jnp.full((L,), 0, jnp.int32)

    def copy(g, buf, sem):
        return pltpu.async_copy(
            x_hbm.at[t, pl.ds(r_base + g * GROUP, GROUP), :], buf, sem
        )

    def process(g, buf, carry):
        def row_body(rl, carry):
            c1, c5, c10 = carry
            i = r_base + g * GROUP + rl

            lane = lax.rem(i, L)
            chunk_d = buf[rl, pl.ds(pl.multiple_of(i - lane, L), L)]
            d = _dyn_gather(chunk_d, jnp.full((L,), lane, jnp.int32))

            ilim = jnp.full((L,), i, jnp.int32)
            acc = zero
            for j in range(B // L):
                v = buf[rl, pl.ds(j * L, L)]
                col = iota + (j * L)
                acc = acc + jnp.where((v == d) & (col < ilim), one, zero)

            def chunk(c0, accs):
                a0, a1, a2, a3 = accs
                base = pl.multiple_of(c0, UNROLL * L)
                for q in range(0, UNROLL, 4):
                    v0 = buf[rl, pl.ds(pl.multiple_of(base + q * L, L), L)]
                    v1 = buf[rl, pl.ds(pl.multiple_of(base + (q + 1) * L, L), L)]
                    v2 = buf[rl, pl.ds(pl.multiple_of(base + (q + 2) * L, L), L)]
                    v3 = buf[rl, pl.ds(pl.multiple_of(base + (q + 3) * L, L), L)]
                    a0 = jnp.where(v0 > d, a0 + one, a0)
                    a1 = jnp.where(v1 > d, a1 + one, a1)
                    a2 = jnp.where(v2 > d, a2 + one, a2)
                    a3 = jnp.where(v3 > d, a3 + one, a3)
                return (a0, a1, a2, a3)

            accs = plsc.parallel_loop(
                0, N, step=UNROLL * L, unroll=2, carry=(acc, zero, zero, zero)
            )(chunk)
            acc = (accs[0] + accs[1]) + (accs[2] + accs[3])
            rank = _tree_sum(acc, iota)

            c1 = c1 + jnp.where(rank < 1, one, zero)
            c5 = c5 + jnp.where(rank < 5, one, zero)
            c10 = c10 + jnp.where(rank < 10, one, zero)
            return (c1, c5, c10)

        return lax.fori_loop(0, GROUP, row_body, carry)

    carry = (zero, zero, zero)
    if RPW // GROUP >= 2:
        h_a = copy(0, buf_a, sem_a)
        h_b = copy(1, buf_b, sem_b)
        h_a.wait()
        carry = process(0, buf_a, carry)
        h_b.wait()
        carry = process(1, buf_b, carry)
    else:
        h_a = copy(0, buf_a, sem_a)
        h_a.wait()
        carry = process(0, buf_a, carry)
    c1, c5, c10 = carry

    res = (
        jnp.where(iota == 0, c1, zero)
        + jnp.where(iota == 1, c5, zero)
        + jnp.where(iota == 2, c10, zero)
    ).astype(jnp.float32)
    outv[...] = res
    pltpu.sync_copy(outv, out_hbm.at[wid])


def _tc_body(x_ref, out_ref):
    x = x_ref[0]
    xh = x[:, :B]
    rowh = lax.broadcasted_iota(jnp.int32, (B, B), 0)
    colh = lax.broadcasted_iota(jnp.int32, (B, B), 1)
    d = jnp.sum(
        jnp.where(colh == rowh, xh, jnp.float32(0.0)), axis=1, keepdims=True
    )
    eq = jnp.sum(((xh == d) & (colh < rowh)).astype(jnp.int32), axis=1, keepdims=True)
    gt = jnp.sum((x > d).astype(jnp.int32), axis=1, keepdims=True)
    rank = gt + eq
    h1 = jnp.sum((rank < 1).astype(jnp.float32))
    h5 = jnp.sum((rank < 5).astype(jnp.float32))
    h10 = jnp.sum((rank < 10).astype(jnp.float32))
    lanes = lax.broadcasted_iota(jnp.int32, (1, 1, B), 2)
    out_ref[...] = jnp.where(
        lanes == 0, h1, jnp.where(lanes == 1, h5, jnp.where(lanes == 2, h10, 0.0))
    )


@jax.jit
def kernel(input):
    mesh = plsc.VectorSubcoreMesh(
        core_axis_name="c", subcore_axis_name="s", num_cores=NC, num_subcores=NS
    )
    sc_partial = pl.kernel(
        _sc_body,
        out_type=jax.ShapeDtypeStruct((NW, L), jnp.float32),
        mesh=mesh,
        scratch_types=[
            pltpu.VMEM((GROUP, N), jnp.float32),
            pltpu.VMEM((GROUP, N), jnp.float32),
            pltpu.VMEM((L,), jnp.float32),
            pltpu.SemaphoreType.DMA,
            pltpu.SemaphoreType.DMA,
        ],
        compiler_params=pltpu.CompilerParams(use_tc_tiling_on_sc=True),
    )(input)

    tc_partial = pl.pallas_call(
        _tc_body,
        grid=(T_TC,),
        in_specs=[pl.BlockSpec((1, B, N), lambda t: (t, 0, 0))],
        out_specs=pl.BlockSpec((1, 1, B), lambda t: (t, 0, 0)),
        out_shape=jax.ShapeDtypeStruct((T_TC, 1, B), jnp.float32),
    )(input)

    sums = jnp.sum(sc_partial[:, :3], axis=0) + jnp.sum(tc_partial[:, 0, :3], axis=0)
    return (sums[0] / R, sums[1] / R, sums[2] / R)

# --- scband reference (transcript-rebuilt; emitter-appended) ---
"""Pipeline reference for scband-top-k-74947179316036 (READ-ONLY COPY).

The authoritative reference and input builder live on the scoring server;
editing this copy changes nothing except your own understanding.
"""

import jax, jax.numpy as jnp
import numpy as np

KS = [1, 5, 10]


def setup_inputs(seed: int = 0) -> dict:
    key = jax.random.key(seed)
    inp = jax.random.normal(key, (8, 128, 4096), dtype=jnp.float32)
    return {"input": inp}


def reference(input):
    # Faithful translation of top_k.forward:
    # for each k, for each time step t, take top-k indices of each row;
    # a row i is 'correct' if its own row index i appears among its top-k
    # column indices; average over rows, then over time steps.
    T, B, N = input.shape
    row_idx = jnp.arange(B)
    accs = []
    for k in KS:
        acc_k = []
        for t in range(T):
            time_pred = input[t]                      # [B, N]
            _, topk_idx = jax.lax.top_k(time_pred, k)  # [B, k]
            hit = jnp.any(topk_idx == row_idx[:, None], axis=1).astype(jnp.float32)
            acc_k.append(jnp.mean(hit))
        accs.append(jnp.mean(jnp.stack(acc_k)))
    return tuple(accs)

if __name__ == "__main__":
    import jax
    _d = setup_inputs()
    print(jax.jit(kernel)(*tuple(_d.values())))

</pallas_src>

<mosaic_0001>
#map = affine_map<(d0, d1) -> (0, 0, 0)>
#map1 = affine_map<(d0, d1) -> (0, 0)>
module attributes {stable_mosaic.version = 14 : i64} {
  func.func @_sc_body(%arg0: i32, %arg1: i32, %arg2: memref<8x128x4096xf32, #tpu.memory_space<hbm>>, %arg3: memref<32x16xf32, #tpu.memory_space<hbm>>, %arg4: memref<8x4096xf32, #tpu.memory_space<vmem>>, %arg5: memref<8x4096xf32, #tpu.memory_space<vmem>>, %arg6: memref<16xf32, #tpu.memory_space<vmem>>, %arg7: memref<!tpu.dma_semaphore, #tpu.memory_space<semaphore_mem>>, %arg8: memref<!tpu.dma_semaphore, #tpu.memory_space<semaphore_mem>>) attributes {dimension_semantics = [#tpu.dimension_semantics<core_parallel>, #tpu.dimension_semantics<subcore_parallel>], iteration_bounds = array<i64: 2, 16>, scalar_prefetch = 0 : i64, scratch_operands = 5 : i64, tpu.core_type = #tpu.core_type<sc_vector_subcore>, window_params = [{transform_indices = #map}, {transform_indices = #map1}]} {
    %mul3A = arith.constant 2 : i32
    %mul3A_0 = arith.muli %arg1, %mul3A : i32
    %add3A = arith.addi %mul3A_0, %arg0 : i32
    %jit3A = arith.constant 16 : i32
    %div3A = arith.divsi %add3A, %jit3A : i32
    %sign3A = arith.constant 0 : i32
    %sign3A_1 = arith.cmpi sgt, %add3A, %sign3A : i32
    %sign3A_2 = arith.extui %sign3A_1 : i1 to i32
    %sign3A_3 = arith.constant 0 : i32
    %sign3A_4 = arith.cmpi slt, %add3A, %sign3A_3 : i32
    %sign3A_5 = arith.extui %sign3A_4 : i1 to i32
    %sign3A_6 = arith.subi %sign3A_2, %sign3A_5 : i32
    %sign3A_7 = arith.constant 0 : i32
    %sign3A_8 = arith.cmpi sgt, %jit3A, %sign3A_7 : i32
    %sign3A_9 = arith.extui %sign3A_8 : i1 to i32
    %sign3A_10 = arith.constant 0 : i32
    %sign3A_11 = arith.cmpi slt, %jit3A, %sign3A_10 : i32
    %sign3A_12 = arith.extui %sign3A_11 : i1 to i32
    %sign3A_13 = arith.subi %sign3A_9, %sign3A_12 : i32
    %ne3A = arith.cmpi ne, %sign3A_6, %sign3A_13 : i32
    %rem3A = arith.remsi %add3A, %jit3A : i32
    %ne3A_14 = arith.constant 0 : i32
    %ne3A_15 = arith.cmpi ne, %rem3A, %ne3A_14 : i32
    %and3A = arith.andi %ne3A, %ne3A_15 : i1
    %sub3A = arith.constant 1 : i32
    %sub3A_16 = arith.subi %div3A, %sub3A : i32
    %select_n3A = arith.select %and3A, %sub3A_16, %div3A : i32
    %add3A_17 = arith.constant 6 : i32
    %add3A_18 = arith.addi %add3A_17, %select_n3A : i32
    %rem3A_19 = arith.constant 16 : i32
    %rem3A_20 = arith.remsi %add3A, %rem3A_19 : i32
    %mul3A_21 = arith.constant 8 : i32
    %mul3A_22 = arith.muli %rem3A_20, %mul3A_21 : i32
    %iota3A = tpu.iota {dimensions = array<i32: 0>} : vector<16xi32>
    %broadcast_in_dim3A = arith.constant 1 : i32
    %broadcast_in_dim3A_23 = vector.broadcast %broadcast_in_dim3A : i32 to vector<16xi32>
    %broadcast_in_dim3A_24 = arith.constant 0 : i32
    %broadcast_in_dim3A_25 = vector.broadcast %broadcast_in_dim3A_24 : i32 to vector<16xi32>
    %add3A_26 = arith.constant 0 : i32
    %add3A_27 = arith.addi %mul3A_22, %add3A_26 : i32
    %dma_start3A = arith.constant 0 : i32
    %dma_start3A_28 = tpu.memref_slice %arg2[%add3A_18, %add3A_27, %dma_start3A] : memref<8x128x4096xf32, #tpu.memory_space<hbm>> -> memref<1x8x4096xf32, #tpu.memory_space<hbm>>
    %dma_start3A_29 = tpu.memref_squeeze %dma_start3A_28 : memref<1x8x4096xf32, #tpu.memory_space<hbm>> -> memref<8x4096xf32, #tpu.memory_space<hbm>>
    %dma_start3A_30 = arith.constant 0 : i32
    %dma_start3A_31 = tpu.memref_slice %arg2[%add3A_18, %add3A_27, %dma_start3A_30] : memref<8x128x4096xf32, #tpu.memory_space<hbm>> -> memref<1x8x4096xf32, #tpu.memory_space<hbm>>
    %dma_start3A_32 = tpu.memref_squeeze %dma_start3A_31 : memref<1x8x4096xf32, #tpu.memory_space<hbm>> -> memref<8x4096xf32, #tpu.memory_space<hbm>>
    tpu.enqueue_dma source(%dma_start3A_32 : memref<8x4096xf32, #tpu.memory_space<hbm>>) target(%arg4 : memref<8x4096xf32, #tpu.memory_space<vmem>>) target_semaphore(%arg7 : memref<!tpu.dma_semaphore, #tpu.memory_space<semaphore_mem>>)
    %dma_wait3A = arith.constant 0 : i32
    %dma_wait3A_33 = tpu.memref_slice %arg2[%add3A_18, %add3A_27, %dma_wait3A] : memref<8x128x4096xf32, #tpu.memory_space<hbm>> -> memref<1x8x4096xf32, #tpu.memory_space<hbm>>
    %dma_wait3A_34 = tpu.memref_squeeze %dma_wait3A_33 : memref<1x8x4096xf32, #tpu.memory_space<hbm>> -> memref<8x4096xf32, #tpu.memory_space<hbm>>
    %dma_wait3A_35 = arith.constant 0 : i32
    %dma_wait3A_36 = tpu.memref_slice %arg2[%add3A_18, %add3A_27, %dma_wait3A_35] : memref<8x128x4096xf32, #tpu.memory_space<hbm>> -> memref<1x8x4096xf32, #tpu.memory_space<hbm>>
    %dma_wait3A_37 = tpu.memref_squeeze %dma_wait3A_36 : memref<1x8x4096xf32, #tpu.memory_space<hbm>> -> memref<8x4096xf32, #tpu.memory_space<hbm>>
    tpu.wait_dma2 semaphore(%arg7 : memref<!tpu.dma_semaphore, #tpu.memory_space<semaphore_mem>>) src(%dma_wait3A_37 : memref<8x4096xf32, #tpu.memory_space<hbm>>) dst(%arg4 : memref<8x4096xf32, #tpu.memory_space<vmem>>)
    %scan3A = arith.constant 0 : i32
    %scan3A_38 = arith.constant 8 : i32
    %scan3A_39 = arith.addi %scan3A, %scan3A_38 : i32
    %scan3A_40 = arith.constant 1 : i32
    %scan3A_41:3 = scf.for %scan3A_59 = %scan3A to %scan3A_39 step %scan3A_40 iter_args(%scan3A_60 = %broadcast_in_dim3A_25, %scan3A_61 = %broadcast_in_dim3A_25, %scan3A_62 = %broadcast_in_dim3A_25) -> (vector<16xi32>, vector<16xi32>, vector<16xi32>)  : i32 {
      %add3A_63 = arith.constant 0 : i32
      %add3A_64 = arith.addi %mul3A_22, %add3A_63 : i32
      %add3A_65 = arith.addi %add3A_64, %scan3A_59 : i32
      %rem3A_66 = arith.constant 16 : i32
      %rem3A_67 = arith.remsi %add3A_65, %rem3A_66 : i32
      %sub3A_68 = arith.subi %add3A_65, %rem3A_67 : i32
      %multiple_of3A = tpu.assume_multiple %sub3A_68, 16 : i32
      %get3A = arith.index_cast %scan3A_59 : i32 to index
      %get3A_69 = arith.index_cast %multiple_of3A : i32 to index
      %get3A_70 = tpu.vector_load %arg4[%get3A, %get3A_69] {strides = array<i32>} : memref<8x4096xf32, #tpu.memory_space<vmem>>, vector<1x16xf32>,
      %get3A_71 = vector.shape_cast %get3A_70 : vector<1x16xf32> to vector<16xf32>
      %broadcast_in_dim3A_72 = vector.broadcast %rem3A_67 : i32 to vector<16xi32>
      %broadcast_in_dim3A_73 = vector.shape_cast %broadcast_in_dim3A_72 : vector<16xi32> to vector<16x1xi32>
      %gather3A = vector.shape_cast %broadcast_in_dim3A_73 : vector<16x1xi32> to vector<16xi32>
      %gather3A_74 = tpu.dynamic_gather %get3A_71[%gather3A] in [0] : vector<16xf32>, vector<16xi32> -> vector<16xf32>
      %broadcast_in_dim3A_75 = vector.broadcast %add3A_65 : i32 to vector<16xi32>
      %get3A_76 = arith.index_cast %scan3A_59 : i32 to index
      %get3A_77 = arith.constant 0 : index
      %get3A_78 = tpu.vector_load %arg4[%get3A_76, %get3A_77] {strides = array<i32>} : memref<8x4096xf32, #tpu.memory_space<vmem>>, vector<1x16xf32>,
      %get3A_79 = vector.shape_cast %get3A_78 : vector<1x16xf32> to vector<16xf32>
      %add3A_80 = arith.constant 0 : i32
      %add3A_81 = vector.broadcast %add3A_80 : i32 to vector<16xi32>
      %add3A_82 = arith.addi %iota3A, %add3A_81 : vector<16xi32>
      %eq3A_83 = arith.cmpf oeq, %get3A_79, %gather3A_74 : vector<16xf32>
      %lt3A = arith.cmpi slt, %add3A_82, %broadcast_in_dim3A_75 : vector<16xi32>
      %and3A_84 = arith.andi %eq3A_83, %lt3A : vector<16xi1>
      %select_n3A_85 = arith.select %and3A_84, %broadcast_in_dim3A_23, %broadcast_in_dim3A_25 : vector<16xi1>, vector<16xi32>
      %add3A_86 = arith.addi %broadcast_in_dim3A_25, %select_n3A_85 : vector<16xi32>
      %get3A_87 = arith.index_cast %scan3A_59 : i32 to index
      %get3A_88 = arith.constant 16 : index
      %get3A_89 = tpu.vector_load %arg4[%get3A_87, %get3A_88] {strides = array<i32>} : memref<8x4096xf32, #tpu.memory_space<vmem>>, vector<1x16xf32>,
      %get3A_90 = vector.shape_cast %get3A_89 : vector<1x16xf32> to vector<16xf32>
      %add3A_91 = arith.constant 16 : i32
      %add3A_92 = vector.broadcast %add3A_91 : i32 to vector<16xi32>
      %add3A_93 = arith.addi %iota3A, %add3A_92 : vector<16xi32>
      %eq3A_94 = arith.cmpf oeq, %get3A_90, %gather3A_74 : vector<16xf32>
      %lt3A_95 = arith.cmpi slt, %add3A_93, %broadcast_in_dim3A_75 : vector<16xi32>
      %and3A_96 = arith.andi %eq3A_94, %lt3A_95 : vector<16xi1>
      %select_n3A_97 = arith.select %and3A_96, %broadcast_in_dim3A_23, %broadcast_in_dim3A_25 : vector<16xi1>, vector<16xi32>
      %add3A_98 = arith.addi %add3A_86, %select_n3A_97 : vector<16xi32>
      %get3A_99 = arith.index_cast %scan3A_59 : i32 to index
      %get3A_100 = arith.constant 32 : index
      %get3A_101 = tpu.vector_load %arg4[%get3A_99, %get3A_100] {strides = array<i32>} : memref<8x4096xf32, #tpu.memory_space<vmem>>, vector<1x16xf32>,
      %get3A_102 = vector.shape_cast %get3A_101 : vector<1x16xf32> to vector<16xf32>
      %add3A_103 = arith.constant 32 : i32
      %add3A_104 = vector.broadcast %add3A_103 : i32 to vector<16xi32>
      %add3A_105 = arith.addi %iota3A, %add3A_104 : vector<16xi32>
      %eq3A_106 = arith.cmpf oeq, %get3A_102, %gather3A_74 : vector<16xf32>
      %lt3A_107 = arith.cmpi slt, %add3A_105, %broadcast_in_dim3A_75 : vector<16xi32>
      %and3A_108 = arith.andi %eq3A_106, %lt3A_107 : vector<16xi1>
      %select_n3A_109 = arith.select %and3A_108, %broadcast_in_dim3A_23, %broadcast_in_dim3A_25 : vector<16xi1>, vector<16xi32>
      %add3A_110 = arith.addi %add3A_98, %select_n3A_109 : vector<16xi32>
      %get3A_111 = arith.index_cast %scan3A_59 : i32 to index
      %get3A_112 = arith.constant 48 : index
      %get3A_113 = tpu.vector_load %arg4[%get3A_111, %get3A_112] {strides = array<i32>} : memref<8x4096xf32, #tpu.memory_space<vmem>>, vector<1x16xf32>,
      %get3A_114 = vector.shape_cast %get3A_113 : vector<1x16xf32> to vector<16xf32>
      %add3A_115 = arith.constant 48 : i32
      %add3A_116 = vector.broadcast %add3A_115 : i32 to vector<16xi32>
      %add3A_117 = arith.addi %iota3A, %add3A_116 : vector<16xi32>
      %eq3A_118 = arith.cmpf oeq, %get3A_114, %gather3A_74 : vector<16xf32>
      %lt3A_119 = arith.cmpi slt, %add3A_117, %broadcast_in_dim3A_75 : vector<16xi32>
      %and3A_120 = arith.andi %eq3A_118, %lt3A_119 : vector<16xi1>
      %select_n3A_121 = arith.select %and3A_120, %broadcast_in_dim3A_23, %broadcast_in_dim3A_25 : vector<16xi1>, vector<16xi32>
      %add3A_122 = arith.addi %add3A_110, %select_n3A_121 : vector<16xi32>
      %get3A_123 = arith.index_cast %scan3A_59 : i32 to index
      %get3A_124 = arith.constant 64 : index
      %get3A_125 = tpu.vector_load %arg4[%get3A_123, %get3A_124] {strides = array<i32>} : memref<8x4096xf32, #tpu.memory_space<vmem>>, vector<1x16xf32>,
      %get3A_126 = vector.shape_cast %get3A_125 : vector<1x16xf32> to vector<16xf32>
      %add3A_127 = arith.constant 64 : i32
      %add3A_128 = vector.broadcast %add3A_127 : i32 to vector<16xi32>
      %add3A_129 = arith.addi %iota3A, %add3A_128 : vector<16xi32>
      %eq3A_130 = arith.cmpf oeq, %get3A_126, %gather3A_74 : vector<16xf32>
      %lt3A_131 = arith.cmpi slt, %add3A_129, %broadcast_in_dim3A_75 : vector<16xi32>
      %and3A_132 = arith.andi %eq3A_130, %lt3A_131 : vector<16xi1>
      %select_n3A_133 = arith.select %and3A_132, %broadcast_in_dim3A_23, %broadcast_in_dim3A_25 : vector<16xi1>, vector<16xi32>
      %add3A_134 = arith.addi %add3A_122, %select_n3A_133 : vector<16xi32>
      %get3A_135 = arith.index_cast %scan3A_59 : i32 to index
      %get3A_136 = arith.constant 80 : index
      %get3A_137 = tpu.vector_load %arg4[%get3A_135, %get3A_136] {strides = array<i32>} : memref<8x4096xf32, #tpu.memory_space<vmem>>, vector<1x16xf32>,
      %get3A_138 = vector.shape_cast %get3A_137 : vector<1x16xf32> to vector<16xf32>
      %add3A_139 = arith.constant 80 : i32
      %add3A_140 = vector.broadcast %add3A_139 : i32 to vector<16xi32>
      %add3A_141 = arith.addi %iota3A, %add3A_140 : vector<16xi32>
      %eq3A_142 = arith.cmpf oeq, %get3A_138, %gather3A_74 : vector<16xf32>
      %lt3A_143 = arith.cmpi slt, %add3A_141, %broadcast_in_dim3A_75 : vector<16xi32>
      %and3A_144 = arith.andi %eq3A_142, %lt3A_143 : vector<16xi1>
      %select_n3A_145 = arith.select %and3A_144, %broadcast_in_dim3A_23, %broadcast_in_dim3A_25 : vector<16xi1>, vector<16xi32>
      %add3A_146 = arith.addi %add3A_134, %select_n3A_145 : vector<16xi32>
      %get3A_147 = arith.index_cast %scan3A_59 : i32 to index
      %get3A_148 = arith.constant 96 : index
      %get3A_149 = tpu.vector_load %arg4[%get3A_147, %get3A_148] {strides = array<i32>} : memref<8x4096xf32, #tpu.memory_space<vmem>>, vector<1x16xf32>,
      %get3A_150 = vector.shape_cast %get3A_149 : vector<1x16xf32> to vector<16xf32>
      %add3A_151 = arith.constant 96 : i32
      %add3A_152 = vector.broadcast %add3A_151 : i32 to vector<16xi32>
      %add3A_153 = arith.addi %iota3A, %add3A_152 : vector<16xi32>
      %eq3A_154 = arith.cmpf oeq, %get3A_150, %gather3A_74 : vector<16xf32>
      %lt3A_155 = arith.cmpi slt, %add3A_153, %broadcast_in_dim3A_75 : vector<16xi32>
      %and3A_156 = arith.andi %eq3A_154, %lt3A_155 : vector<16xi1>
      %select_n3A_157 = arith.select %and3A_156, %broadcast_in_dim3A_23, %broadcast_in_dim3A_25 : vector<16xi1>, vector<16xi32>
      %add3A_158 = arith.addi %add3A_146, %select_n3A_157 : vector<16xi32>
      %get3A_159 = arith.index_cast %scan3A_59 : i32 to index
      %get3A_160 = arith.constant 112 : index
      %get3A_161 = tpu.vector_load %arg4[%get3A_159, %get3A_160] {strides = array<i32>} : memref<8x4096xf32, #tpu.memory_space<vmem>>, vector<1x16xf32>,
      %get3A_162 = vector.shape_cast %get3A_161 : vector<1x16xf32> to vector<16xf32>
      %add3A_163 = arith.constant 112 : i32
      %add3A_164 = vector.broadcast %add3A_163 : i32 to vector<16xi32>
      %add3A_165 = arith.addi %iota3A, %add3A_164 : vector<16xi32>
      %eq3A_166 = arith.cmpf oeq, %get3A_162, %gather3A_74 : vector<16xf32>
      %lt3A_167 = arith.cmpi slt, %add3A_165, %broadcast_in_dim3A_75 : vector<16xi32>
      %and3A_168 = arith.andi %eq3A_166, %lt3A_167 : vector<16xi1>
      %select_n3A_169 = arith.select %and3A_168, %broadcast_in_dim3A_23, %broadcast_in_dim3A_25 : vector<16xi1>, vector<16xi32>
      %add3A_170 = arith.addi %add3A_158, %select_n3A_169 : vector<16xi32>
      %parallel_loop3A = arith.constant 0 : i32
      %parallel_loop3A_171 = arith.constant 4096 : i32
      %parallel_loop3A_172 = arith.constant 128 : i32
      %parallel_loop3A_173:4 = scf.for %parallel_loop3A_232 = %parallel_loop3A to %parallel_loop3A_171 step %parallel_loop3A_172 iter_args(%parallel_loop3A_233 = %add3A_170, %parallel_loop3A_234 = %broadcast_in_dim3A_25, %parallel_loop3A_235 = %broadcast_in_dim3A_25, %parallel_loop3A_236 = %broadcast_in_dim3A_25) -> (vector<16xi32>, vector<16xi32>, vector<16xi32>, vector<16xi32>)  : i32 {
        %parallel_loop3A_237 = tpu.assume_multiple %parallel_loop3A_232, 128 : i32
        %parallel_loop3A_238 = arith.constant 0 : i32
        %parallel_loop3A_239 = arith.addi %parallel_loop3A_237, %parallel_loop3A_238 : i32
        %parallel_loop3A_240 = tpu.assume_multiple %parallel_loop3A_239, 16 : i32
        %parallel_loop3A_241 = arith.index_cast %scan3A_59 : i32 to index
        %parallel_loop3A_242 = arith.index_cast %parallel_loop3A_240 : i32 to index
        %parallel_loop3A_243 = tpu.vector_load %arg4[%parallel_loop3A_241, %parallel_loop3A_242] {strides = array<i32>} : memref<8x4096xf32, #tpu.memory_space<vmem>>, vector<1x16xf32>,
        %parallel_loop3A_244 = vector.shape_cast %parallel_loop3A_243 : vector<1x16xf32> to vector<16xf32>
        %parallel_loop3A_245 = arith.constant 16 : i32
        %parallel_loop3A_246 = arith.addi %parallel_loop3A_237, %parallel_loop3A_245 : i32
        %parallel_loop3A_247 = tpu.assume_multiple %parallel_loop3A_246, 16 : i32
        %parallel_loop3A_248 = arith.index_cast %scan3A_59 : i32 to index
        %parallel_loop3A_249 = arith.index_cast %parallel_loop3A_247 : i32 to index
        %parallel_loop3A_250 = tpu.vector_load %arg4[%parallel_loop3A_248, %parallel_loop3A_249] {strides = array<i32>} : memref<8x4096xf32, #tpu.memory_space<vmem>>, vector<1x16xf32>,
        %parallel_loop3A_251 = vector.shape_cast %parallel_loop3A_250 : vector<1x16xf32> to vector<16xf32>
        %parallel_loop3A_252 = arith.constant 32 : i32
        %parallel_loop3A_253 = arith.addi %parallel_loop3A_237, %parallel_loop3A_252 : i32
        %parallel_loop3A_254 = tpu.assume_multiple %parallel_loop3A_253, 16 : i32
        %parallel_loop3A_255 = arith.index_cast %scan3A_59 : i32 to index
        %parallel_loop3A_256 = arith.index_cast %parallel_loop3A_254 : i32 to index
        %parallel_loop3A_257 = tpu.vector_load %arg4[%parallel_loop3A_255, %parallel_loop3A_256] {strides = array<i32>} : memref<8x4096xf32, #tpu.memory_space<vmem>>, vector<1x16xf32>,
        %parallel_loop3A_258 = vector.shape_cast %parallel_loop3A_257 : vector<1x16xf32> to vector<16xf32>
        %parallel_loop3A_259 = arith.constant 48 : i32
        %parallel_loop3A_260 = arith.addi %parallel_loop3A_237, %parallel_loop3A_259 : i32
        %parallel_loop3A_261 = tpu.assume_multiple %parallel_loop3A_260, 16 : i32
        %parallel_loop3A_262 = arith.index_cast %scan3A_59 : i32 to index
        %parallel_loop3A_263 = arith.index_cast %parallel_loop3A_261 : i32 to index
        %parallel_loop3A_264 = tpu.vector_load %arg4[%parallel_loop3A_262, %parallel_loop3A_263] {strides = array<i32>} : memref<8x4096xf32, #tpu.memory_space<vmem>>, vector<1x16xf32>,
        %parallel_loop3A_265 = vector.shape_cast %parallel_loop3A_264 : vector<1x16xf32> to vector<16xf32>
        %parallel_loop3A_266 = arith.cmpf ogt, %parallel_loop3A_244, %gather3A_74 : vector<16xf32>
        %parallel_loop3A_267 = arith.addi %parallel_loop3A_233, %broadcast_in_dim3A_23 : vector<16xi32>
        %parallel_loop3A_268 = arith.select %parallel_loop3A_266, %parallel_loop3A_267, %parallel_loop3A_233 : vector<16xi1>, vector<16xi32>
        %parallel_loop3A_269 = arith.cmpf ogt, %parallel_loop3A_251, %gather3A_74 : vector<16xf32>
        %parallel_loop3A_270 = arith.addi %parallel_loop3A_234, %broadcast_in_dim3A_23 : vector<16xi32>
        %parallel_loop3A_271 = arith.select %parallel_loop3A_269, %parallel_loop3A_270, %parallel_loop3A_234 : vector<16xi1>, vector<16xi32>
        %parallel_loop3A_272 = arith.cmpf ogt, %parallel_loop3A_258, %gather3A_74 : vector<16xf32>
        %parallel_loop3A_273 = arith.addi %parallel_loop3A_235, %broadcast_in_dim3A_23 : vector<16xi32>
        %parallel_loop3A_274 = arith.select %parallel_loop3A_272, %parallel_loop3A_273, %parallel_loop3A_235 : vector<16xi1>, vector<16xi32>
        %parallel_loop3A_275 = arith.cmpf ogt, %parallel_loop3A_265, %gather3A_74 : vector<16xf32>
        %parallel_loop3A_276 = arith.addi %parallel_loop3A_236, %broadcast_in_dim3A_23 : vector<16xi32>
        %parallel_loop3A_277 = arith.select %parallel_loop3A_275, %parallel_loop3A_276, %parallel_loop3A_236 : vector<16xi1>, vector<16xi32>
        %parallel_loop3A_278 = arith.constant 64 : i32
        %parallel_loop3A_279 = arith.addi %parallel_loop3A_237, %parallel_loop3A_278 : i32
        %parallel_loop3A_280 = tpu.assume_multiple %parallel_loop3A_279, 16 : i32
        %parallel_loop3A_281 = arith.index_cast %scan3A_59 : i32 to index
        %parallel_loop3A_282 = arith.index_cast %parallel_loop3A_280 : i32 to index
        %parallel_loop3A_283 = tpu.vector_load %arg4[%parallel_loop3A_281, %parallel_loop3A_282] {strides = array<i32>} : memref<8x4096xf32, #tpu.memory_space<vmem>>, vector<1x16xf32>,
        %parallel_loop3A_284 = vector.shape_cast %parallel_loop3A_283 : vector<1x16xf32> to vector<16xf32>
        %parallel_loop3A_285 = arith.constant 80 : i32
        %parallel_loop3A_286 = arith.addi %parallel_loop3A_237, %parallel_loop3A_285 : i32
        %parallel_loop3A_287 = tpu.assume_multiple %parallel_loop3A_286, 16 : i32
        %parallel_loop3A_288 = arith.index_cast %scan3A_59 : i32 to index
        %parallel_loop3A_289 = arith.index_cast %parallel_loop3A_287 : i32 to index
        %parallel_loop3A_290 = tpu.vector_load %arg4[%parallel_loop3A_288, %parallel_loop3A_289] {strides = array<i32>} : memref<8x4096xf32, #tpu.memory_space<vmem>>, vector<1x16xf32>,
        %parallel_loop3A_291 = vector.shape_cast %parallel_loop3A_290 : vector<1x16xf32> to vector<16xf32>
        %parallel_loop3A_292 = arith.constant 96 : i32
        %parallel_loop3A_293 = arith.addi %parallel_loop3A_237, %parallel_loop3A_292 : i32
        %parallel_loop3A_294 = tpu.assume_multiple %parallel_loop3A_293, 16 : i32
        %parallel_loop3A_295 = arith.index_cast %scan3A_59 : i32 to index
        %parallel_loop3A_296 = arith.index_cast %parallel_loop3A_294 : i32 to index
        %parallel_loop3A_297 = tpu.vector_load %arg4[%parallel_loop3A_295, %parallel_loop3A_296] {strides = array<i32>} : memref<8x4096xf32, #tpu.memory_space<vmem>>, vector<1x16xf32>,
        %parallel_loop3A_298 = vector.shape_cast %parallel_loop3A_297 : vector<1x16xf32> to vector<16xf32>
        %parallel_loop3A_299 = arith.constant 112 : i32
        %parallel_loop3A_300 = arith.addi %parallel_loop3A_237, %parallel_loop3A_299 : i32
        %parallel_loop3A_301 = tpu.assume_multiple %parallel_loop3A_300, 16 : i32
        %parallel_loop3A_302 = arith.index_cast %scan3A_59 : i32 to index
        %parallel_loop3A_303 = arith.index_cast %parallel_loop3A_301 : i32 to index
        %parallel_loop3A_304 = tpu.vector_load %arg4[%parallel_loop3A_302, %parallel_loop3A_303] {strides = array<i32>} : memref<8x4096xf32, #tpu.memory_space<vmem>>, vector<1x16xf32>,
        %parallel_loop3A_305 = vector.shape_cast %parallel_loop3A_304 : vector<1x16xf32> to vector<16xf32>
        %parallel_loop3A_306 = arith.cmpf ogt, %parallel_loop3A_284, %gather3A_74 : vector<16xf32>
        %parallel_loop3A_307 = arith.addi %parallel_loop3A_268, %broadcast_in_dim3A_23 : vector<16xi32>
        %parallel_loop3A_308 = arith.select %parallel_loop3A_306, %parallel_loop3A_307, %parallel_loop3A_268 : vector<16xi1>, vector<16xi32>
        %parallel_loop3A_309 = arith.cmpf ogt, %parallel_loop3A_291, %gather3A_74 : vector<16xf32>
        %parallel_loop3A_310 = arith.addi %parallel_loop3A_271, %broadcast_in_dim3A_23 : vector<16xi32>
        %parallel_loop3A_311 = arith.select %parallel_loop3A_309, %parallel_loop3A_310, %parallel_loop3A_271 : vector<16xi1>, vector<16xi32>
        %parallel_loop3A_312 = arith.cmpf ogt, %parallel_loop3A_298, %gather3A_74 : vector<16xf32>
        %parallel_loop3A_313 = arith.addi %parallel_loop3A_274, %broadcast_in_dim3A_23 : vector<16xi32>
        %parallel_loop3A_314 = arith.select %parallel_loop3A_312, %parallel_loop3A_313, %parallel_loop3A_274 : vector<16xi1>, vector<16xi32>
        %parallel_loop3A_315 = arith.cmpf ogt, %parallel_loop3A_305, %gather3A_74 : vector<16xf32>
        %parallel_loop3A_316 = arith.addi %parallel_loop3A_277, %broadcast_in_dim3A_23 : vector<16xi32>
        %parallel_loop3A_317 = arith.select %parallel_loop3A_315, %parallel_loop3A_316, %parallel_loop3A_277 : vector<16xi1>, vector<16xi32>
        scf.yield %parallel_loop3A_308, %parallel_loop3A_311, %parallel_loop3A_314, %parallel_loop3A_317 : vector<16xi32>, vector<16xi32>, vector<16xi32>, vector<16xi32>
      } {sc.loop_unroll_factor = 2 : i64, sc.parallel_access}
      %add3A_174 = arith.addi %parallel_loop3A_173#0, %parallel_loop3A_173#1 : vector<16xi32>
      %add3A_175 = arith.addi %parallel_loop3A_173#2, %parallel_loop3A_173#3 : vector<16xi32>
      %add3A_176 = arith.addi %add3A_174, %add3A_175 : vector<16xi32>
      %add3A_177 = arith.constant 8 : i32
      %add3A_178 = vector.broadcast %add3A_177 : i32 to vector<16xi32>
      %add3A_179 = arith.addi %iota3A, %add3A_178 : vector<16xi32>
      %rem3A_180 = arith.constant 16 : i32
      %rem3A_181 = vector.broadcast %rem3A_180 : i32 to vector<16xi32>
      %rem3A_182 = arith.remsi %add3A_179, %rem3A_181 : vector<16xi32>
      %broadcast_in_dim3A_183 = vector.shape_cast %rem3A_182 : vector<16xi32> to vector<16x1xi32>
      %gather3A_184 = vector.shape_cast %broadcast_in_dim3A_183 : vector<16x1xi32> to vector<16xi32>
      %gather3A_185 = tpu.dynamic_gather %add3A_176[%gather3A_184] in [0] : vector<16xi32>, vector<16xi32> -> vector<16xi32>
      %add3A_186 = arith.addi %add3A_176, %gather3A_185 : vector<16xi32>
      %add3A_187 = arith.constant 4 : i32
      %add3A_188 = vector.broadcast %add3A_187 : i32 to vector<16xi32>
      %add3A_189 = arith.addi %iota3A, %add3A_188 : vector<16xi32>
      %rem3A_190 = arith.constant 16 : i32
      %rem3A_191 = vector.broadcast %rem3A_190 : i32 to vector<16xi32>
      %rem3A_192 = arith.remsi %add3A_189, %rem3A_191 : vector<16xi32>
      %broadcast_in_dim3A_193 = vector.shape_cast %rem3A_192 : vector<16xi32> to vector<16x1xi32>
      %gather3A_194 = vector.shape_cast %broadcast_in_dim3A_193 : vector<16x1xi32> to vector<16xi32>
      %gather3A_195 = tpu.dynamic_gather %add3A_186[%gather3A_194] in [0] : vector<16xi32>, vector<16xi32> -> vector<16xi32>
      %add3A_196 = arith.addi %add3A_186, %gather3A_195 : vector<16xi32>
      %add3A_197 = arith.constant 2 : i32
      %add3A_198 = vector.broadcast %add3A_197 : i32 to vector<16xi32>
      %add3A_199 = arith.addi %iota3A, %add3A_198 : vector<16xi32>
      %rem3A_200 = arith.constant 16 : i32
      %rem3A_201 = vector.broadcast %rem3A_200 : i32 to vector<16xi32>
      %rem3A_202 = arith.remsi %add3A_199, %rem3A_201 : vector<16xi32>
      %broadcast_in_dim3A_203 = vector.shape_cast %rem3A_202 : vector<16xi32> to vector<16x1xi32>
      %gather3A_204 = vector.shape_cast %broadcast_in_dim3A_203 : vector<16x1xi32> to vector<16xi32>
      %gather3A_205 = tpu.dynamic_gather %add3A_196[%gather3A_204] in [0] : vector<16xi32>, vector<16xi32> -> vector<16xi32>
      %add3A_206 = arith.addi %add3A_196, %gather3A_205 : vector<16xi32>
      %add3A_207 = arith.constant 1 : i32
      %add3A_208 = vector.broadcast %add3A_207 : i32 to vector<16xi32>
      %add3A_209 = arith.addi %iota3A, %add3A_208 : vector<16xi32>
      %rem3A_210 = arith.constant 16 : i32
      %rem3A_211 = vector.broadcast %rem3A_210 : i32 to vector<16xi32>
      %rem3A_212 = arith.remsi %add3A_209, %rem3A_211 : vector<16xi32>
      %broadcast_in_dim3A_213 = vector.shape_cast %rem3A_212 : vector<16xi32> to vector<16x1xi32>
      %gather3A_214 = vector.shape_cast %broadcast_in_dim3A_213 : vector<16x1xi32> to vector<16xi32>
      %gather3A_215 = tpu.dynamic_gather %add3A_206[%gather3A_214] in [0] : vector<16xi32>, vector<16xi32> -> vector<16xi32>
      %add3A_216 = arith.addi %add3A_206, %gather3A_215 : vector<16xi32>
      %lt3A_217 = arith.constant 1 : i32
      %lt3A_218 = vector.broadcast %lt3A_217 : i32 to vector<16xi32>
      %lt3A_219 = arith.cmpi slt, %add3A_216, %lt3A_218 : vector<16xi32>
      %select_n3A_220 = arith.select %lt3A_219, %broadcast_in_dim3A_23, %broadcast_in_dim3A_25 : vector<16xi1>, vector<16xi32>
      %add3A_221 = arith.addi %scan3A_60, %select_n3A_220 : vector<16xi32>
      %lt3A_222 = arith.constant 5 : i32
      %lt3A_223 = vector.broadcast %lt3A_222 : i32 to vector<16xi32>
      %lt3A_224 = arith.cmpi slt, %add3A_216, %lt3A_223 : vector<16xi32>
      %select_n3A_225 = arith.select %lt3A_224, %broadcast_in_dim3A_23, %broadcast_in_dim3A_25 : vector<16xi1>, vector<16xi32>
      %add3A_226 = arith.addi %scan3A_61, %select_n3A_225 : vector<16xi32>
      %lt3A_227 = arith.constant 10 : i32
      %lt3A_228 = vector.broadcast %lt3A_227 : i32 to vector<16xi32>
      %lt3A_229 = arith.cmpi slt, %add3A_216, %lt3A_228 : vector<16xi32>
      %select_n3A_230 = arith.select %lt3A_229, %broadcast_in_dim3A_23, %broadcast_in_dim3A_25 : vector<16xi1>, vector<16xi32>
      %add3A_231 = arith.addi %scan3A_62, %select_n3A_230 : vector<16xi32>
      scf.yield %add3A_221, %add3A_226, %add3A_231 : vector<16xi32>, vector<16xi32>, vector<16xi32>
    }
    %scan3A_42 = arith.constant 8 : i32
    %eq3A = arith.constant 0 : i32
    %eq3A_43 = vector.broadcast %eq3A : i32 to vector<16xi32>
    %eq3A_44 = arith.cmpi eq, %iota3A, %eq3A_43 : vector<16xi32>
    %select_n3A_45 = arith.select %eq3A_44, %scan3A_41#0, %broadcast_in_dim3A_25 : vector<16xi1>, vector<16xi32>
    %eq3A_46 = arith.constant 1 : i32
    %eq3A_47 = vector.broadcast %eq3A_46 : i32 to vector<16xi32>
    %eq3A_48 = arith.cmpi eq, %iota3A, %eq3A_47 : vector<16xi32>
    %select_n3A_49 = arith.select %eq3A_48, %scan3A_41#1, %broadcast_in_dim3A_25 : vector<16xi1>, vector<16xi32>
    %add3A_50 = arith.addi %select_n3A_45, %select_n3A_49 : vector<16xi32>
    %eq3A_51 = arith.constant 2 : i32
    %eq3A_52 = vector.broadcast %eq3A_51 : i32 to vector<16xi32>
    %eq3A_53 = arith.cmpi eq, %iota3A, %eq3A_52 : vector<16xi32>
    %select_n3A_54 = arith.select %eq3A_53, %scan3A_41#2, %broadcast_in_dim3A_25 : vector<16xi1>, vector<16xi32>
    %add3A_55 = arith.addi %add3A_50, %select_n3A_54 : vector<16xi32>
    %convert_element_type3A = arith.sitofp %add3A_55 : vector<16xi32> to vector<16xf32>
    %swap3A = arith.constant 0 : index
    %swap3A_56 = tpu.vector_load %arg6[%swap3A] {strides = array<i32>} : memref<16xf32, #tpu.memory_space<vmem>>, vector<16xf32>,
    %swap3A_57 = vector.shape_cast %swap3A_56 : vector<16xf32> to vector<16xf32>
    %swap3A_58 = vector.shape_cast %convert_element_type3A : vector<16xf32> to vector<16xf32>
    tpu.vector_store %arg6[%swap3A], %swap3A_58 {strides = array<i32>} : memref<16xf32, #tpu.memory_space<vmem>>, vector<16xf32>,
    "tpu.region"() ({
      %run_scoped3A = tpu.sem_alloc : memref<!tpu.dma_semaphore, #tpu.memory_space<semaphore_mem>>
      %dma_start3A_59 = arith.constant 0 : i32
      %dma_start3A_60 = tpu.memref_slice %arg3[%add3A, %dma_start3A_59] : memref<32x16xf32, #tpu.memory_space<hbm>> -> memref<1x16xf32, #tpu.memory_space<hbm>>
      %dma_start3A_61 = tpu.memref_squeeze %dma_start3A_60 : memref<1x16xf32, #tpu.memory_space<hbm>> -> memref<16xf32, #tpu.memory_space<hbm>>
      %dma_start3A_62 = arith.constant 0 : i32
      %dma_start3A_63 = tpu.memref_slice %arg3[%add3A, %dma_start3A_62] : memref<32x16xf32, #tpu.memory_space<hbm>> -> memref<1x16xf32, #tpu.memory_space<hbm>>
      %dma_start3A_64 = tpu.memref_squeeze %dma_start3A_63 : memref<1x16xf32, #tpu.memory_space<hbm>> -> memref<16xf32, #tpu.memory_space<hbm>>
      tpu.enqueue_dma source(%arg6 : memref<16xf32, #tpu.memory_space<vmem>>) target(%dma_start3A_64 : memref<16xf32, #tpu.memory_space<hbm>>) target_semaphore(%run_scoped3A : memref<!tpu.dma_semaphore, #tpu.memory_space<semaphore_mem>>)
      %dma_wait3A_65 = arith.constant 0 : i32
      %dma_wait3A_66 = tpu.memref_slice %arg3[%add3A, %dma_wait3A_65] : memref<32x16xf32, #tpu.memory_space<hbm>> -> memref<1x16xf32, #tpu.memory_space<hbm>>
      %dma_wait3A_67 = tpu.memref_squeeze %dma_wait3A_66 : memref<1x16xf32, #tpu.memory_space<hbm>> -> memref<16xf32, #tpu.memory_space<hbm>>
      %dma_wait3A_68 = arith.constant 0 : i32
      %dma_wait3A_69 = tpu.memref_slice %arg3[%add3A, %dma_wait3A_68] : memref<32x16xf32, #tpu.memory_space<hbm>> -> memref<1x16xf32, #tpu.memory_space<hbm>>
      %dma_wait3A_70 = tpu.memref_squeeze %dma_wait3A_69 : memref<1x16xf32, #tpu.memory_space<hbm>> -> memref<16xf32, #tpu.memory_space<hbm>>
      tpu.wait_dma2 semaphore(%run_scoped3A : memref<!tpu.dma_semaphore, #tpu.memory_space<semaphore_mem>>) src(%arg6 : memref<16xf32, #tpu.memory_space<vmem>>) dst(%dma_wait3A_70 : memref<16xf32, #tpu.memory_space<hbm>>)
      tpu.yield
    }) : () -> ()
    return
  }
}

module attributes {stable_mosaic.version = 14 : i64} {
  func.func @_tc_body(%arg0: i32, %arg1: memref<1x128x4096xf32, #tpu.memory_space<vmem>>, %arg2: memref<1x1x128xf32, #tpu.memory_space<vmem>>) attributes {dimension_semantics = [#tpu.dimension_semantics<arbitrary>], iteration_bounds = array<i64: 6>, scalar_prefetch = 0 : i64, scratch_operands = 0 : i64, tpu.core_type = #tpu.core_type<tc>, window_params = [{transform_indices = @transform_0, window_bounds = array<i64: 1, 128, 4096>}, {transform_indices = @transform_1, window_bounds = array<i64: 1, 1, 128>}]} {
    %get3A = arith.constant 0 : index
    %get3A_0 = arith.constant 0 : index
    %get3A_1 = arith.constant 0 : index
    %get3A_2 = vector.load %arg1[%get3A, %get3A_0, %get3A_1] : memref<1x128x4096xf32, #tpu.memory_space<vmem>>, vector<1x128x4096xf32>
    %get3A_3 = vector.shape_cast %get3A_2 : vector<1x128x4096xf32> to vector<128x4096xf32>
    %slice3A = vector.extract_strided_slice %get3A_3 {offsets = [0, 0], sizes = [128, 128], strides = [1, 1]} : vector<128x4096xf32> to vector<128x128xf32>
    %iota3A = tpu.iota {dimensions = array<i32: 0>} : vector<128x128xi32>
    %iota3A_4 = tpu.iota {dimensions = array<i32: 1>} : vector<128x128xi32>
    %eq3A = arith.cmpi eq, %iota3A_4, %iota3A : vector<128x128xi32>
    %jit3A = arith.constant 0.000000e+00 : f32
    %broadcast_in_dim3A = vector.broadcast %jit3A : f32 to vector<128x128xf32>
    %select_n3A = arith.select %eq3A, %slice3A, %broadcast_in_dim3A : vector<128x128xi1>, vector<128x128xf32>
    %reduce_sum3A = arith.constant dense<0.000000e+00> : vector<128xf32>
    %reduce_sum3A_5 = vector.multi_reduction <add>, %select_n3A, %reduce_sum3A [1] : vector<128x128xf32> to vector<128xf32>
    %broadcast_in_dim3A_6 = vector.shape_cast %reduce_sum3A_5 : vector<128xf32> to vector<128x1xf32>
    %eq3A_7 = vector.broadcast %broadcast_in_dim3A_6 : vector<128x1xf32> to vector<128x128xf32>
    %eq3A_8 = arith.cmpf oeq, %slice3A, %eq3A_7 : vector<128x128xf32>
    %lt3A = arith.cmpi slt, %iota3A_4, %iota3A : vector<128x128xi32>
    %and3A = arith.andi %eq3A_8, %lt3A : vector<128x128xi1>
    %convert_element_type3A = arith.extui %and3A : vector<128x128xi1> to vector<128x128xi32>
    %reduce_sum3A_9 = arith.constant dense<0> : vector<128xi32>
    %reduce_sum3A_10 = vector.multi_reduction <add>, %convert_element_type3A, %reduce_sum3A_9 [1] : vector<128x128xi32> to vector<128xi32>
    %broadcast_in_dim3A_11 = vector.shape_cast %reduce_sum3A_10 : vector<128xi32> to vector<128x1xi32>
    %gt3A = vector.broadcast %broadcast_in_dim3A_6 : vector<128x1xf32> to vector<128x4096xf32>
    %gt3A_12 = arith.cmpf ogt, %get3A_3, %gt3A : vector<128x4096xf32>
    %convert_element_type3A_13 = arith.extui %gt3A_12 : vector<128x4096xi1> to vector<128x4096xi32>
    %reduce_sum3A_14 = arith.constant dense<0> : vector<128xi32>
    %reduce_sum3A_15 = vector.multi_reduction <add>, %convert_element_type3A_13, %reduce_sum3A_14 [1] : vector<128x4096xi32> to vector<128xi32>
    %broadcast_in_dim3A_16 = vector.shape_cast %reduce_sum3A_15 : vector<128xi32> to vector<128x1xi32>
    %add3A = arith.addi %broadcast_in_dim3A_16, %broadcast_in_dim3A_11 : vector<128x1xi32>
    %lt3A_17 = arith.constant 1 : i32
    %lt3A_18 = vector.broadcast %lt3A_17 : i32 to vector<128x1xi32>
    %lt3A_19 = arith.cmpi slt, %add3A, %lt3A_18 : vector<128x1xi32>
    %convert_element_type3A_20 = arith.extui %lt3A_19 : vector<128x1xi1> to vector<128x1xi32>
    %convert_element_type3A_21 = arith.sitofp %convert_element_type3A_20 : vector<128x1xi32> to vector<128x1xf32>
    %reduce_sum3A_22 = vector.shape_cast %convert_element_type3A_21 : vector<128x1xf32> to vector<1x128x1xf32>
    %reduce_sum3A_23 = arith.constant dense<0.000000e+00> : vector<1xf32>
    %reduce_sum3A_24 = vector.multi_reduction <add>, %reduce_sum3A_22, %reduce_sum3A_23 [1, 2] : vector<1x128x1xf32> to vector<1xf32>
    %reduce_sum3A_25 = vector.shape_cast %reduce_sum3A_24 : vector<1xf32> to vector<1x1x1xf32>
    %reduce_sum3A_26 = vector.extract %reduce_sum3A_25[0, 0, 0] : f32 from vector<1x1x1xf32>
    %lt3A_27 = arith.constant 5 : i32
    %lt3A_28 = vector.broadcast %lt3A_27 : i32 to vector<128x1xi32>
    %lt3A_29 = arith.cmpi slt, %add3A, %lt3A_28 : vector<128x1xi32>
    %convert_element_type3A_30 = arith.extui %lt3A_29 : vector<128x1xi1> to vector<128x1xi32>
    %convert_element_type3A_31 = arith.sitofp %convert_element_type3A_30 : vector<128x1xi32> to vector<128x1xf32>
    %reduce_sum3A_32 = vector.shape_cast %convert_element_type3A_31 : vector<128x1xf32> to vector<1x128x1xf32>
    %reduce_sum3A_33 = arith.constant dense<0.000000e+00> : vector<1xf32>
    %reduce_sum3A_34 = vector.multi_reduction <add>, %reduce_sum3A_32, %reduce_sum3A_33 [1, 2] : vector<1x128x1xf32> to vector<1xf32>
    %reduce_sum3A_35 = vector.shape_cast %reduce_sum3A_34 : vector<1xf32> to vector<1x1x1xf32>
    %reduce_sum3A_36 = vector.extract %reduce_sum3A_35[0, 0, 0] : f32 from vector<1x1x1xf32>
    %lt3A_37 = arith.constant 10 : i32
    %lt3A_38 = vector.broadcast %lt3A_37 : i32 to vector<128x1xi32>
    %lt3A_39 = arith.cmpi slt, %add3A, %lt3A_38 : vector<128x1xi32>
    %convert_element_type3A_40 = arith.extui %lt3A_39 : vector<128x1xi1> to vector<128x1xi32>
    %convert_element_type3A_41 = arith.sitofp %convert_element_type3A_40 : vector<128x1xi32> to vector<128x1xf32>
    %reduce_sum3A_42 = vector.shape_cast %convert_element_type3A_41 : vector<128x1xf32> to vector<1x128x1xf32>
    %reduce_sum3A_43 = arith.constant dense<0.000000e+00> : vector<1xf32>
    %reduce_sum3A_44 = vector.multi_reduction <add>, %reduce_sum3A_42, %reduce_sum3A_43 [1, 2] : vector<1x128x1xf32> to vector<1xf32>
    %reduce_sum3A_45 = vector.shape_cast %reduce_sum3A_44 : vector<1xf32> to vector<1x1x1xf32>
    %reduce_sum3A_46 = vector.extract %reduce_sum3A_45[0, 0, 0] : f32 from vector<1x1x1xf32>
    %iota3A_47 = tpu.iota {dimensions = array<i32: 2>} : vector<1x1x128xi32>
    %eq3A_48 = arith.constant 0 : i32
    %eq3A_49 = vector.broadcast %eq3A_48 : i32 to vector<1x1x128xi32>
    %eq3A_50 = arith.cmpi eq, %iota3A_47, %eq3A_49 : vector<1x1x128xi32>
    %eq3A_51 = arith.constant 1 : i32
    %eq3A_52 = vector.broadcast %eq3A_51 : i32 to vector<1x1x128xi32>
    %eq3A_53 = arith.cmpi eq, %iota3A_47, %eq3A_52 : vector<1x1x128xi32>
    %eq3A_54 = arith.constant 2 : i32
    %eq3A_55 = vector.broadcast %eq3A_54 : i32 to vector<1x1x128xi32>
    %eq3A_56 = arith.cmpi eq, %iota3A_47, %eq3A_55 : vector<1x1x128xi32>
    %jit3A_57 = arith.constant 0.000000e+00 : f32
    %broadcast_in_dim3A_58 = vector.broadcast %reduce_sum3A_46 : f32 to vector<1x1x128xf32>
    %broadcast_in_dim3A_59 = vector.broadcast %jit3A_57 : f32 to vector<1x1x128xf32>
    %select_n3A_60 = arith.select %eq3A_56, %broadcast_in_dim3A_58, %broadcast_in_dim3A_59 : vector<1x1x128xi1>, vector<1x1x128xf32>
    %broadcast_in_dim3A_61 = vector.broadcast %reduce_sum3A_36 : f32 to vector<1x1x128xf32>
    %select_n3A_62 = arith.select %eq3A_53, %broadcast_in_dim3A_61, %select_n3A_60 : vector<1x1x128xi1>, vector<1x1x128xf32>
    %broadcast_in_dim3A_63 = vector.broadcast %reduce_sum3A_26 : f32 to vector<1x1x128xf32>
    %select_n3A_64 = arith.select %eq3A_50, %broadcast_in_dim3A_63, %select_n3A_62 : vector<1x1x128xi1>, vector<1x1x128xf32>
    %swap3A = arith.constant 0 : index
    %swap3A_65 = arith.constant 0 : index
    %swap3A_66 = arith.constant 0 : index
    %swap3A_67 = vector.load %arg2[%swap3A, %swap3A_65, %swap3A_66] : memref<1x1x128xf32, #tpu.memory_space<vmem>>, vector<1x1x128xf32>
    tpu.vector_store %arg2[%swap3A, %swap3A_65, %swap3A_66], %select_n3A_64 {strides = array<i32>} : memref<1x1x128xf32, #tpu.memory_space<vmem>>, vector<1x1x128xf32>,
    return
  }
  func.func @transform_0(%arg0: i32) -> (i32, i32, i32) {
    %c0_i32 = arith.constant 0 : i32
    %c0_i32_0 = arith.constant 0 : i32
    %c0_i32_1 = arith.constant 0 : i32
    return %arg0, %c0_i32, %c0_i32_0 : i32, i32, i32
  }
  func.func @transform_1(%arg0: i32) -> (i32, i32, i32) {
    %c0_i32 = arith.constant 0 : i32
    %c0_i32_0 = arith.constant 0 : i32
    %c0_i32_1 = arith.constant 0 : i32
    return %arg0, %c0_i32, %c0_i32_0 : i32, i32, i32
  }
}

</mosaic_0001>

<sc_bundles>
// kernel: kernel.4.cloned.1.call-start
scs
__scs_entry_jumppad:
0x0: {  	(pc) =	sbr.rel $0x88, $3  }
0x1: {  	(tag) =	ssettag $0x0;
	lr =	simm.s32 $0x1  }
0x2: {  	[smem:$0x3FA0] =	sst lr;
	_ =	strace $0xD0000000  }
0x3: {  	_ = 	snop  }
0x4: {  	_ = 	snop  }
0x5: {  	_ = 	snop  }
0x6: {  	_ = 	snop  }
0x7: {  	_ = 	snop  }
__scs_overlays_trampoline_lowered:
0x8: {  	[smem:$0x3FAF] =	sst s0  }
0x9: {  	[smem:$0x3FB0] =	sst s1  }
0xa: {  	[smem:$0x3FB1] =	sst s2  }
0xb: {  	[smem:$0x3FB2] =	sst s3  }
0xc: {  	[smem:$0x3FB3] =	sst s4  }
0xd: {  	[smem:$0x3FB4] =	sst s5  }
0xe: {  	[smem:$0x3FB5] =	sst s6  }
0xf: {  	[smem:$0x3FB6] =	sst s7  }
0x10: {  	[smem:$0x3FB7] =	sst s8  }
0x11: {  	[smem:$0x3FB8] =	sst s9;
	s0 =	simm.s32 @!p0 $0x0  }
0x12: {  	s1 =	sld [smem:$0x3F9E];
	s0 =	simm.s32 @p0 $0x1  }
0x13: {  	[smem:$0x3FB9] =	sst s0;
	s0 =	simm.s32 @!p1 $0x0  }
0x14: {  	s2 =	sld [smem:$0x3F9D];
	s0 =	simm.s32 @p1 $0x1  }
0x15: {  	[smem:$0x3FBA] =	sst s0;
	s0 =	simm.s32 @!p2 $0x0  }
0x16: {  	s3 =	sld [smem:$0x3FDB];
	s0 =	simm.s32 @p2 $0x1  }
0x17: {  	s4 =	simm.s32 $0x1BF5;
	[smem:$0x3FBC] =	sst s0  }
0x18: {  	s0 =	sld [smem:$0x3F9F];
	_ =	swait.ge [sflag:s4], $0x0  }
0x19: {  	s7 =	sld [smem:$0x3FA0]  }
0x1a: {  	s8 =	sadd.s32 $0xFFFFE003, lr  }
0x1b: {  	s9 =	sadd.s32 $0xFFFFFEF7, lr;
	s5 =	simm.s32 $0xFFFFFFFF;
	p2 =	slt.u32 s8, $0xFFFFF086  }
0x1c: {  	p1 =	slt.u32 s9, $0xF7A;
	s5 =	simm.s32 @!p2 $0x0  }
0x1d: {  	s5 =	simm.s32 @p1 $0x1;
	p0 =	seq.s32 s7, s2  }
0x1e: {  	s7 =	smul.u32 @!p0 $0xF7A, s2;
	p2 =	seq.s32 @!p0 s5, $0x0  }
0x1f: {  	s9 =	smul.u32 $0xF7A, s1;
	s8 =	simm.s32 @!p0 $0x1BF5;
	p2 =	por !p2, p0  }
0x20: {  	[sflag:s8] =	ssyncset.s32 @!p0 $0xFFFFF086;
	s6 =	sadd.s32 @!p0 s3, s7;
	s7 =	simm.s32 @!p0 $0x108  }
0x21: {  	s3 =	sadd.s32 s3, s9;
	s6 =	sadd.s32 @!p0 $0x88, s6;
	s7 =	simm.s32 @p2 $0x1082  }
0x22: {  	[simem:s7], [sflag:s8] =	dma.local @!p0 [hbm:s6], $0xF7A  }
0x23: {  	s9 =	sor.u32 $0xD0000000, s2;
	s6 =	simm.s32 $0x108;
	_ =	swait.ge @!p0 [sflag:s8], $0x0  }
0x24: {  	s3 =	sadd.s32 $0x88, s3;
	s6 =	simm.s32 @!p1 $0x1082;
	[sflag:s4] =	ssyncset.s32 $0xFFFFF086  }
0x25: {  	[simem:s6], [sflag:s4] =	dma.local [hbm:s3], $0xF7A  }
0x26: {  	[smem:$0x3FA0] =	sst s1;
	(tag) =	ssettag s2;
	_ =	strace s9  }
0x27: {  	s1 =	sld [smem:$0x3FB0]  }
0x28: {  	s2 =	sld [smem:$0x3FB1]  }
0x29: {  	s4 =	sld [smem:$0x3FB3]  }
0x2a: {  	p0 =	seq.s32 s5, $0x0;
	s5 =	sld [smem:$0x3FB4]  }
0x2b: {  	s6 =	sld [smem:$0x3FB5]  }
0x2c: {  	s7 =	sld [smem:$0x3FB6]  }
0x2d: {  	s3 =	simm.s32 $0x108;
	s8 =	sld [smem:$0x3FB7]  }
0x2e: {  	s3 =	simm.s32 @!p0 $0x1082;
	s9 =	sld [smem:$0x3FB8]  }
0x2f: {  	lr =	sadd.s32 s0, s3;
	s0 =	sld [smem:$0x3FAF]  }
0x30: {  	s3 =	sld [smem:$0x3FB2]  }
0x31: {  	[smem:$0x3FBB] =	sst s10  }
0x32: {  	s10 =	sld [smem:$0x3FB9];
	_ =	sdelay $0x3  }
0x33: {  	p0 =	seq.s32 s10, $0x1;
	s10 =	sld [smem:$0x3FBB];
	_ =	sdelay $0x3  }
0x34: {  	[smem:$0x3FBB] =	sst s10  }
0x35: {  	s10 =	sld [smem:$0x3FBA];
	_ =	sdelay $0x3  }
0x36: {  	p1 =	seq.s32 s10, $0x1;
	s10 =	sld [smem:$0x3FBB];
	_ =	sdelay $0x3  }
0x37: {  	[smem:$0x3FBB] =	sst s10  }
0x38: {  	s10 =	sld [smem:$0x3FBC]  }
0x39: {  	_ = 	snop;
	(pc) =	sbr.ind lr, $3  }
0x3a: {  	_ = 	snop  }
0x3b: {  	_ = 	snop  }
0x3c: {  	p2 =	seq.s32 s10, $0x1;
	s10 =	sld [smem:$0x3FBB]  }
0x3d: {  	_ =	shalt  }
0x3e: {  	_ =	shalt  }
0x3f: {  	_ =	shalt  }
0x40: {  	_ =	shalt  }
0x41: {  	_ =	shalt  }
0x42: {  	_ =	shalt  }
0x43: {  	_ =	shalt  }
0x44: {  	_ =	shalt  }
0x45: {  	_ =	shalt  }
0x46: {  	_ =	shalt  }
0x47: {  	_ =	shalt  }
0x48: {  	_ =	shalt  }
0x49: {  	_ =	shalt  }
0x4a: {  	_ =	shalt  }
0x4b: {  	_ =	shalt  }
0x4c: {  	_ =	shalt  }
0x4d: {  	_ =	shalt  }
0x4e: {  	_ =	shalt  }
0x4f: {  	_ =	shalt  }
0x50: {  	_ =	shalt  }
0x51: {  	_ =	shalt  }
0x52: {  	_ =	shalt  }
0x53: {  	_ =	shalt  }
0x54: {  	_ =	shalt  }
0x55: {  	_ =	shalt  }
0x56: {  	_ =	shalt  }
0x57: {  	_ =	shalt  }
0x58: {  	_ =	shalt  }
0x59: {  	_ =	shalt  }
0x5a: {  	_ =	shalt  }
0x5b: {  	_ =	shalt  }
0x5c: {  	_ =	shalt  }
0x5d: {  	_ =	shalt  }
0x5e: {  	_ =	shalt  }
0x5f: {  	_ =	shalt  }
0x60: {  	_ =	shalt  }
0x61: {  	_ =	shalt  }
0x62: {  	_ =	shalt  }
0x63: {  	_ =	shalt  }
0x64: {  	_ =	shalt  }
0x65: {  	_ =	shalt  }
0x66: {  	_ =	shalt  }
0x67: {  	_ =	shalt  }
0x68: {  	_ =	shalt  }
0x69: {  	_ =	shalt  }
0x6a: {  	_ =	shalt  }
0x6b: {  	_ =	shalt  }
0x6c: {  	_ =	shalt  }
0x6d: {  	_ =	shalt  }
0x6e: {  	_ =	shalt  }
0x6f: {  	_ =	shalt  }
0x70: {  	_ =	shalt  }
0x71: {  	_ =	shalt  }
0x72: {  	_ =	shalt  }
0x73: {  	_ =	shalt  }
0x74: {  	_ =	shalt  }
0x75: {  	_ =	shalt  }
0x76: {  	_ =	shalt  }
0x77: {  	_ =	shalt  }
0x78: {  	_ =	shalt  }
0x79: {  	_ =	shalt  }
0x7a: {  	_ =	shalt  }
0x7b: {  	_ =	shalt  }
0x7c: {  	_ =	shalt  }
0x7d: {  	_ =	shalt  }
0x7e: {  	_ =	shalt  }
0x7f: {  	_ =	shalt  }
0x80: {  	_ =	shalt  }
0x81: {  	_ =	shalt  }
0x82: {  	_ =	shalt  }
0x83: {  	_ =	shalt  }
0x84: {  	_ =	shalt  }
0x85: {  	_ =	shalt  }
0x86: {  	_ =	shalt  }
0x87: {  	_ =	shalt  }
.Lfunc_end0:
.L_simem_size_0:
called_computation_lowered:
.L_overlay_start_0:
0x88: {  	s2 =	sld [smem:$0x3FD9]  }
0x89: {  	s3 =	sld [smem:$0x3FFE];
	_ =	sdelay $0x1  }
0x8a: {  	s1 =	srdreg.scid  }
0x8b: {  	s0 =	sand.u32 $0x1, s1  }
0x8c: {  	s17 =	sshll.u32 s0, $0xA;
	s2 =	sadd.s32 s3, s2  }
0x8d: {  	s2 =	sadd.s32 s2, s17  }
0x8e: {  	[smem:$0x3FC7] =	sst s2  }
0x8f: {  	_ = 	snop  }
0x90: {  	s2 =	sld [smem:$0x3FC9];
	(tm) =	ssettm $0x1  }
0x91: {  	s18 =	sld [smem:$0x3FFB];
	_ =	sdelay $0x3  }
0x92: {  	_ =	strace s18  }
0x93: {  	s3 =	sld [smem:$0x3FFC];
	_ =	sdelay $0x3  }
0x94: {  	_ =	strace s3  }
0x95: {  	s3 =	sld [smem:$0x3FFD];
	_ =	sdelay $0x3  }
0x96: {  	_ =	strace s3  }
0x97: {  	_ =	strace $0x8FFFFFFF  }
0x98: {  	s19 =	sld [smem:$0x3FDB];
	_ =	sdelay $0x1  }
0x99: {  	s4 =	simm.s32 $_scs_section_size  }
0x9a: {  	s5 =	simm.s32 $_size__tile_overlayer_lowered;
	s6 =	simm.s32 $_tile_overlayer_lowered  }
0x9b: {  	s22 =	simm.s32 $0x1BFF;
	s21 =	sshll.u32 s6, $0x1;
	s3 =	sadd.s32 s4, s19  }
0x9c: {  	s7 =	simm.s32 $0x0;
	s20 =	sshll.u32 s5, $0x1;
	s5 =	sadd.s32 s21, s3  }
0x9d: {  	[timem:s7], [sflag:s22] =	dma.local [hbm:s5], s20  }
0x9e: {  	_ =	swait.ge [sflag:s22], s20  }
0x9f: {  	s4 =	ssub.s32 $0x0, s20;
	[sflag:s22] =	ssyncset.done $0x0  }
0xa0: {  	[sflag:s22] =	ssyncadd.s32 s4;
	_ =	sdelay $0x1  }
0xa1: {  	s23 =	simm.s32 $0x1B8B  }
0xa2: {  	_ =	swait.ge [sflag:s23], $0x1  }
0xa3: {  	[sflag:s23] =	ssyncset.done $0x0  }
0xa4: {  	s25 =	simm.s32 $0x1B8E;
	s24 =	sld [smem:$0x3FFE];
	[sflag:s23] =	ssyncadd.s32 $0xFFFFFFFF  }
0xa5: {  	s26 =	simm.s32 $execute0_lowered;
	[smem:$0x3FD2] =	sst s25  }
0xa6: {  	s5 =	sshll.u32 s26, $0x1;
	_ =	strace $0x80000046;
	[dreg:$0x1] =	wrdreg $0xFFFFFFFF  }
0xa7: {  	s28 =	simm.s32 $_size_execute0_lowered;
	s3 =	sadd.s32 s3, s5;
	[dreg:$0x0] =	wrdreg $0x0  }
0xa8: {  	s5 =	sshll.u32 s28, $0x1;
	[dreg:$0x2] =	wrdreg s3  }
0xa9: {  	[dreg:$0x3] =	wrdreg s5  }
0xaa: {  	[dreg:$0x4] =	wrdreg $0xC0  }
0xab: {  	_ =	task [dreg:s7], $0x5FFFF  }
0xac: {  	[dreg:$0x1] =	wrdreg $0xFFFFFFFF  }
0xad: {  	[dreg:$0x0] =	wrdreg $0x60  }
0xae: {  	[dreg:$0x2] =	wrdreg s2  }
0xaf: {  	[dreg:$0x3] =	wrdreg s24  }
0xb0: {  	[dreg:$0x4] =	wrdreg $0x9  }
0xb1: {  	_ =	task.clear_ibuf [dreg:s7], $0x5FFFF;
	_ =	strace $0x90000046  }
0xb2: {  	s29 =	simm.s32 $0x9;
	_ =	strace $0x80000048  }
0xb3: {  	_ =	swait.ge [sflag:s29], $0x1  }
0xb4: {  	[sflag:s29] =	ssyncadd.s32 $0xFFFFFFFF  }
0xb5: {  	_ =	strace $0x90000048  }
0xb6: {  	_ =	sfence  }
0xb7: {  	s30 =	sld [smem:$0x0];
	_ =	sdelay $0x2  }
0xb8: {  	s31 =	sshll.u32 s1, $0xD;
	s1 =	sshrl.u32 s1, $0x2  }
0xb9: {  	s3 =	sand.u32 $0x4000, s31;
	s1 =	sadd.s32 s1, s30  }
0xba: {  	s0 =	sor.u32 s3, s0;
	s1 =	sshll.u32 s1, $0x11  }
0xbb: {  	s0 =	sor.u32 s1, s0  }
0xbc: {  	s0 =	sadd.s32 $0x8F2B, s0  }
0xbd: {  	[sflag:s0] =	ssyncadd.remote.s32 $0x1  }
0xbe: {  	_ =	sfence.sel $0xFFFF  }
0xbf: {  	[dreg:$0x0] =	wrdreg $0xFFFFFFFF;
	(pc) =	sbr.abs _section_cstart, $3  }
0xc0: {  	[dreg:$0x1] =	wrdreg $0xFFFFFFFF  }
0xc1: {  	_ =	task.clear_ibuf [dreg:s7], $0x2FFFF;
	_ =	strace $0x9FFFFFFF  }
0xc2: {  	(tm) =	ssettm $0x7FFFFFFF  }
0xc3: {  	_ =	shalt  }
tec
execute0_lowered:
.L_overlay_start_1:
0x0: {  	(tag) =	ssettag $0x1  }
0x1: {  	v0 =	vimm.s32 $0xFEDCBA98;
	v1 =	vimm.s32 $0x76543210  }
0x2: {  	v8 =	vimm.s32 $0xBA987654;
	v9 =	vimm.s32 $0x10FEDCBA;
	v10 =	vimm.s32 $0x98765432  }
0x3: {  	s3 =	rddreg [dreg:$0x0];
	v11 =	vimm.s32 $0xFEDCBA9;
	v12 =	vimm.s32 $0x87654321;
	vm0 =	vmmov $0x1  }
0x4: {  	s6 =	rddreg [dreg:$0x1];
	vm1 =	vcmask $0x308;
	vm2 =	vcmask $0x70C;
	v0 =	vunpack.c.l.s4.s8 v0  }
0x5: {  	s0 =	rddreg [dreg:$0x2];
	v2 =	vunpack.c.l.s4.s8 v1;
	v1 =	vimm.s32 $0x0;
	v8 =	vunpack.c.l.s4.s8 v8  }
0x6: {  	s1 =	simm.s32 $0x0;
	s4 =	srdreg.scid;
	s2 =	stileid.u32;
	v9 =	vunpack.c.l.s4.s8 v9;
	v10 =	vunpack.c.l.s4.s8 v10;
	v4 =	vunpack.c.0.s8.s32 v0  }
0x7: {  	s11 =	simm.s32 $0x0;
	[smem:$0x7FF] =	sst s1;
	s4 =	sand.u32 $0x1, s4;
	v11 =	vunpack.c.l.s4.s8 v11;
	v12 =	vunpack.c.l.s4.s8 v12;
	v6 =	vunpack.c.0.s8.s32 v2  }
0x8: {  	s5 =	sshll.u32 s2, $0x1;
	s7 =	sshll.u32 s2, $0xD;
	_ =	strace $0x80000047;
	v0 =	vlaneseq.u32;
	v8 =	vunpack.c.0.s8.s32 v8;
	v7 =	vand.u32 $0xF, v4  }
0x9: {  	s8 =	sor.u32 s4, s5;
	s4 =	ssub.s32 $0x2, s4;
	s7 =	sand.u32 $0x10000, s7;
	v14 =	vunpack.c.0.s8.s32 v9;
	v6 =	vcombine.low v7, v6;
	v7 =	vimm.s32 $0x3210FEDC  }
0xa: {  	s5 =	sand.u32 $0xF, s8;
	s9 =	sshrl.u32 s4, $0x1;
	s7 =	sadd.s32 s7, s3;
	v10 =	vunpack.c.0.s8.s32 v10;
	v15 =	vunpack.c.0.s8.s32 v11;
	v7 =	vunpack.c.l.s4.s8 v7  }
0xb: {  	v12 =	vunpack.c.0.s8.s32 v12;
	s31 =	sshll.u32 s8, $0x4;
	s8 =	simm.s32 $0x1;
	v2 =	vor.u32 $0x10, v0;
	v3 =	vor.u32 $0x20, v0;
	s10 =	sshll.u32 s5, $0xC  }
0xc: {  	v5 =	vor.u32 $0x40, v0;
	s9 =	ssub.s32 s4, s9;
	s3 =	sshll.u32 s5, $0x3;
	v9 =	vor.u32 $0x60, v0;
	s6 =	sadd.s32 s6, s31;
	v13 =	vunpack.c.0.s8.s32 v7  }
0xd: {  	v11 =	vor.u32 $0x70, v0;
	v4 =	vor.u32 $0x30, v0;
	s30 =	sadd.s32 s10, s7;
	s5 =	sand.u32 $0x70, s3;
	s7 =	smax.u32 s9, $0x1;
	v10 =	vcombine.low v10, v14  }
0xe: {  	v12 =	vcombine.low v12, v15;
	s9 =	simm.s32 $0x8000;
	s10 =	simm.s32 $0x2;
	s4 =	sadd.s32 $0x60000, s30;
	v7 =	vor.u32 $0x50, v0;
	v8 =	vcombine.low v8, v13  }
.LBB2_1:
0xf: {  	[tilespmem:s1], [sflag:$0x1] =	stream.linear.gather [hbm4b:s4+s1], $0x8000, $0x38;
	[tilespmem:$0x8080] =	vst v63  }
0x10: {  	_ =	swait.ge [sflag:s8], $0x8000  }
0x11: {  	[sflag:s8] =	ssyncset.done $0x0  }
0x12: {  	s12 =	simm.s32 $0x40;
	v13 =	vimm.s32 $0x0;
	v14 =	vimm.s32 $0x0;
	v15 =	vimm.s32 $0x0;
	s13 =	simm.s32 $0x0;
	[sflag:s8] =	ssyncadd.s32 $0xFFFF8000  }
.LBB2_2:
0x13: {  	s14 =	sshll.u32 s13, $0x7  }
0x14: {  	s15 =	sor.u32 s14, s5  }
0x15: {  	v16 =	vld [tilespmem:s15+$0x0];
	_ =	sdelay $0x1  }
0x16: {  	v17 =	vld [tilespmem:s14+$0x0]  }
0x17: {  	s31 =	sor.u32 s3, s13;
	v18 =	vld [tilespmem:s14+$0x10]  }
0x18: {  	v19 =	vmov s31  }
0x19: {  	v20 =	vld [tilespmem:s14+$0x20];
	v16 =	vperm.xlane v16, v19;
	_ =	sdelay $0x1  }
0x1a: {  	vm4 =	vgt.u32 v19, v0;
	vm3 =	veq.f32 v17, v16;
	v17 =	vld [tilespmem:s14+$0x30]  }
0x1b: {  	vm5 =	vgt.u32 v19, v2;
	vm13 =	veq.f32 v18, v16;
	vm3 =	vmand vm4, vm3  }
0x1c: {  	v21 =	vld [tilespmem:s14+$0x40];
	vm14 =	vgt.u32 v19, v3;
	v18 =	vsel vm3, $0x1, v1;
	vm3 =	vmand vm5, vm13  }
0x1d: {  	vm15 =	vgt.u32 v19, v4;
	v22 =	vsel vm3, $0x1, v1;
	vm3 =	veq.f32 v20, v16  }
0x1e: {  	vm8 =	vgt.u32 v19, v5;
	vm9 =	vgt.u32 v19, v7;
	v20 =	vld [tilespmem:s14+$0x50];
	vm3 =	vmand vm14, vm3  }
0x1f: {  	v24 =	vld [tilespmem:s12+$0xFFFFFFE0];
	v18 =	vadd.s32 v18, v22;
	v22 =	vsel vm3, $0x1, v1;
	vm3 =	veq.f32 v17, v16  }
0x20: {  	vm10 =	vgt.u32 v19, v9;
	v17 =	vadd.s32 v22, v18;
	vm3 =	vmand vm15, vm3;
	v18 =	vld [tilespmem:s14+$0x60]  }
0x21: {  	vm12 =	vgt.u32 v19, v11;
	v19 =	vld [tilespmem:s12+$0xFFFFFFC0];
	v22 =	vsel vm3, $0x1, v1;
	vm3 =	veq.f32 v21, v16  }
0x22: {  	v21 =	vld [tilespmem:s14+$0x70];
	vm3 =	vmand vm8, vm3  }
0x23: {  	v17 =	vadd.s32 v22, v17;
	v22 =	vsel vm3, $0x1, v1;
	vm3 =	veq.f32 v20, v16;
	v20 =	vld [tilespmem:s12+$0x10]  }
0x24: {  	v17 =	vadd.s32 v22, v17;
	vm3 =	vmand vm9, vm3;
	v22 =	vld [tilespmem:s12+$0x20]  }
0x25: {  	v23 =	vsel vm3, $0x1, v1;
	vm3 =	veq.f32 v18, v16;
	v18 =	vld [tilespmem:s12+$0x30]  }
0x26: {  	v28 =	vimm.s32 $0x0;
	vm6 =	vgt.f32 v19, v16;
	v17 =	vadd.s32 v23, v17;
	v23 =	vld [tilespmem:s12+$0xFFFFFFF0]  }
0x27: {  	vm15 =	vgt.f32 v24, v16;
	vm3 =	vmand vm10, vm3;
	vm11 =	veq.f32 v21, v16  }
0x28: {  	v27 =	vld [tilespmem:s12+$0xFFFFFFD0];
	v31 =	vsel vm15, $0x1, v1;
	v21 =	vsel vm3, $0x1, v1;
	vm3 =	vmand vm12, vm11  }
0x29: {  	v29 =	vld [tilespmem:s12+$0x0];
	s14 =	sadd.s32 $0x400, s12;
	v17 =	vadd.s32 v21, v17;
	v21 =	vsel vm3, $0x1, v1;
	vm3 =	vgt.f32 v20, v16  }
0x2a: {  	v19 =	vld [tilespmem:s14+$0x20];
	v17 =	vadd.s32 v21, v17;
	vm13 =	vgt.f32 v22, v16;
	v20 =	vsel vm3, $0x1, v1  }
0x2b: {  	v22 =	vsel vm6, $0x1, v1;
	v21 =	vld [tilespmem:s14+$0x30];
	vm14 =	vgt.f32 v18, v16;
	vm3 =	vgt.f32 v23, v16  }
0x2c: {  	v18 =	vld [tilespmem:s14+$0x10];
	v25 =	vsel vm13, $0x1, v1;
	v26 =	vadd.s32 v22, v17;
	v17 =	vsel vm3, $0x1, v1  }
0x2d: {  	v30 =	vsel vm14, $0x1, v1;
	v23 =	vld [tilespmem:s14+$0xFFFFFFC0];
	vm3 =	vgt.f32 v27, v16;
	v17 =	vadd.s32 v17, v28  }
0x2e: {  	v22 =	vld [tilespmem:s14+$0xFFFFFFF0];
	v27 =	vsel vm3, $0x1, v1;
	vm3 =	vgt.f32 v29, v16;
	v17 =	vadd.s32 v30, v17  }
0x2f: {  	s15 =	simm.s32 $0x80;
	v24 =	vld [tilespmem:s14+$0xFFFFFFE0];
	v27 =	vadd.s32 v27, v28;
	v28 =	vadd.s32 v31, v28;
	v29 =	vsel vm3, $0x1, v1  }
.LBB2_3:
0x30: {  	s15 =	sadd.s32 $0x80, s15;
	v30 =	vld [tilespmem:s14+$0xFFFFFFD0];
	v26 =	vadd.s32 v29, v26;
	v27 =	vadd.s32 v20, v27;
	v28 =	vadd.s32 v25, v28  }
0x31: {  	vm3 =	vgt.f32 v18, v16;
	vm4 =	vgt.f32 v19, v16;
	p0 =	slt.u32 s15, $0xF80;
	v29 =	vld [tilespmem:s14+$0x0];
	vm5 =	vgt.f32 v21, v16;
	s14 =	sadd.s32 $0x400, s14  }
0x32: {  	v20 =	vsel vm3, $0x1, v1;
	v18 =	vld [tilespmem:s14+$0x10];
	vm6 =	vgt.f32 v23, v16;
	v31 =	vsel vm5, $0x1, v1  }
.Ltmp0:
0x33: {  	v25 =	vsel vm4, $0x1, v1;
	v19 =	vld [tilespmem:s14+$0x20];
	v23 =	vsel vm6, $0x1, v1;
	vm3 =	vgt.f32 v22, v16;
	(pc) =	sbr.rel @p0 .LBB2_3-.Ltmp0, $4  }
0x34: {  	v21 =	vld [tilespmem:s14+$0x30];
	v26 =	vadd.s32 v23, v26;
	vm4 =	vgt.f32 v24, v16;
	v22 =	vsel vm3, $0x1, v1  }
0x35: {  	v23 =	vld [tilespmem:s14+$0xFFFFFFC0];
	vm3 =	vgt.f32 v30, v16;
	v30 =	vsel vm4, $0x1, v1;
	v17 =	vadd.s32 v22, v17  }
0x36: {  	v22 =	vld [tilespmem:s14+$0xFFFFFFF0];
	v32 =	vsel vm3, $0x1, v1;
	vm3 =	vgt.f32 v29, v16;
	v17 =	vadd.s32 v31, v17  }
0x37: {  	v28 =	vadd.s32 v30, v28;
	v24 =	vld [tilespmem:s14+$0xFFFFFFE0];
	v27 =	vadd.s32 v32, v27;
	v29 =	vsel vm3, $0x1, v1  }
0x38: {  	v30 =	vld [tilespmem:s14+$0xFFFFFFD0]  }
0x39: {  	v26 =	vadd.s32 v29, v26;
	v20 =	vadd.s32 v20, v27;
	v25 =	vadd.s32 v25, v28;
	v56 =	vld [tilespmem:s14+$0x0]  }
0x3a: {  	vm3 =	vgt.f32 v18, v16;
	vm4 =	vgt.f32 v19, v16;
	vm5 =	vgt.f32 v21, v16  }
0x3b: {  	v18 =	vsel vm3, $0x1, v1;
	v59 =	vsel vm4, $0x1, v1;
	vm6 =	vgt.f32 v23, v16  }
0x3c: {  	v57 =	vsel vm5, $0x1, v1;
	v58 =	vsel vm6, $0x1, v1;
	vm3 =	vgt.f32 v22, v16  }
0x3d: {  	v21 =	vadd.s32 v58, v26;
	vm12 =	vgt.f32 v24, v16;
	vm13 =	vgt.f32 v30, v16  }
0x3e: {  	v60 =	vsel vm3, $0x1, v1;
	vm3 =	vgt.f32 v56, v16;
	v61 =	vsel vm13, $0x1, v1  }
0x3f: {  	v16 =	vsel vm12, $0x1, v1;
	v62 =	vsel vm3, $0x1, v1;
	v20 =	vadd.s32 v61, v20  }
0x40: {  	v16 =	vadd.s32 v16, v25;
	v21 =	vadd.s32 v62, v21;
	v18 =	vadd.s32 v18, v20  }
0x41: {  	v17 =	vadd.s32 v60, v17;
	v16 =	vadd.s32 v59, v16;
	v18 =	vadd.s32 v21, v18  }
0x42: {  	v17 =	vadd.s32 v57, v17;
	v16 =	vadd.s32 v16, v18  }
0x43: {  	v16 =	vadd.s32 v17, v16  }
0x44: {  	v17 =	vperm.xlane v16, v6;
	_ =	sdelay $0x1  }
0x45: {  	v16 =	vadd.s32 v16, v17  }
0x46: {  	v17 =	vperm.xlane v16, v8;
	_ =	sdelay $0x1  }
0x47: {  	v16 =	vadd.s32 v17, v16  }
0x48: {  	v17 =	vperm.xlane v16, v10;
	_ =	sdelay $0x1  }
0x49: {  	s13 =	sadd.s32 $0x1, s13;
	v16 =	vadd.s32 v17, v16  }
0x4a: {  	p0 =	sne.s32 s13, $0x8;
	v17 =	vperm.xlane v16, v12  }
.Ltmp1:
0x4b: {  	_ = 	snop;
	(pc) =	sbr.rel @p0 .LBB2_2-.Ltmp1, $4  }
0x4c: {  	v16 =	vadd.s32 v17, v16  }
0x4d: {  	vm3 =	vlt.s32 v16, $0x1;
	vm14 =	vlt.s32 v16, $0x5;
	vm15 =	vlt.s32 v16, $0xA  }
0x4e: {  	v16 =	vsel vm3, $0x1, v1;
	v17 =	vsel vm14, $0x1, v1;
	v63 =	vsel vm15, $0x1, v1  }
0x4f: {  	s12 =	sadd.s32 $0x80, s12;
	v15 =	vadd.s32 v16, v15;
	v14 =	vadd.s32 v17, v14;
	v13 =	vadd.s32 v63, v13  }
0x50: {  	v15 =	vnsel vm0, $0x0, v15;
	v14 =	vsel vm1, $0x0, v14  }
0x51: {  	v13 =	vsel vm2, $0x0, v13;
	v14 =	vadd.s32 v15, v14  }
0x52: {  	v13 =	vadd.s32 v13, v14  }
0x53: {  	s11 =	sadd.s32 $0x1, s11;
	v13 =	vcvt.s32.f32 v13  }
0x54: {  	p0 =	sne.s32 s11, s7  }
.Ltmp2:
0x55: {  	[tilespmem:$0x8000] =	vst v13;
	(pc) =	sbr.rel @p0 .LBB2_1-.Ltmp2, $4  }
0x56: {  	[hbm4b:s6+s1] =	stream.linear.scatter [tilespmem:s9], [sflag:$0x2], $0x80, $0x38;
	[tilespmem:$0x8080] =	vst v63  }
0x57: {  	_ =	swait.ge [sflag:s10], $0x80  }
0x58: {  	[sflag:s10] =	ssyncset.done $0x0  }
0x59: {  	[sflag:s10] =	ssyncadd.s32 $0xFFFFFF80  }
0x5a: {  	_ =	sfence.sel $0x180000  }
0x5b: {  	[bflag:$0x0] =	sbarrier.arrive $0xFFFF  }
0x5c: {  	p0 =	sne.s32 s2, $0x0;
	_ =	strace $0x90000047  }
0x5d: {  	s0 =	sadd.s32 @!p0 $0x100000, s0;
	[bflag:$0x2] =	sbarrier.arrive $0xFFFF  }
0x5e: {  	[sflag:s0] =	ssyncadd.tile.s32 @!p0 $0x1;
	_ =	shalt  }
.Lfunc_end2:
_tile_overlayer_lowered:
.L_overlay_start_2:
0x5f: {  	(tag) =	ssettag $0x2  }
0x60: {  	s0 =	rddreg [dreg:$0x0];
	s2 =	stileid.u32  }
0x61: {  	s1 =	rddreg [dreg:$0x1];
	p0 =	sne.s32 s2, $0x0  }
0x62: {  	s3 =	rddreg [dreg:$0x2];
	[bflag:$0x3] =	sbarrier.arrive $0xFFFF;
	s2 =	simm.s32 @!p0 $0x1C02  }
0x63: {  	[timem:s3], [sflag:s2] =	dma.local @!p0 [hbm:s0], s1  }
0x64: {  	s0 =	simm.s32 @!p0 $0x2  }
0x65: {  	_ =	swait.ge @!p0 [sflag:s0], s1  }
0x66: {  	s1 =	ssub.s32 @!p0 $0x0, s1;
	[sflag:s0] =	ssyncset.done @!p0 $0x0  }
0x67: {  	[sflag:s0] =	ssyncadd.s32 @!p0 s1  }
0x68: {  	[bflag:$0x3] =	sbarrier.arrive $0xFFFF  }
0x69: {  	_ =	shalt  }

</sc_bundles>
